<compile_context>
chip_gen: v7x
topology: tpu7x:2x2x1
jax: 0.10.2.dev20260603
libtpu: 0.0.44.dev20260713+nightly
codegen_flags: <defaults>
</compile_context>

<pallas_src>
import functools

import jax
import jax.numpy as jnp
from jax import lax
from jax.experimental import pallas as pl
from jax.experimental.pallas import tpu as pltpu
from jax.experimental.pallas import tpu_sc as plsc

_N = 320000
_D = 128
_SEG = 100000

_K = 1
_NSL = _N // _K

_T = 32000
_G = _T // 128
_NBS = _NSL // _T


def _mlp_body(emb, w1, b1, w2, b2, w3, b3, out):
    x = emb[...].astype(jnp.bfloat16)
    h = jnp.maximum(
        jnp.dot(x, w1[...].astype(jnp.bfloat16),
                preferred_element_type=jnp.float32) + b1[...], 0.0)
    h = jnp.maximum(
        jnp.dot(h.astype(jnp.bfloat16), w2[...].astype(jnp.bfloat16),
                preferred_element_type=jnp.float32) + b2[...], 0.0)
    v = jnp.sum(h * w3[...], axis=1) + b3[0, 0]
    out[...] = v.reshape(1, _G, 128)


@functools.cache
def _make_mlp(slab):
    base = slab * _NBS
    return pl.pallas_call(
        _mlp_body,
        grid=(_NBS,),
        in_specs=[
            pl.BlockSpec((_T, _D), lambda i, b=base: (b + i, 0)),
            pl.BlockSpec((_D, _D), lambda i: (0, 0)),
            pl.BlockSpec((1, _D), lambda i: (0, 0)),
            pl.BlockSpec((_D, _D), lambda i: (0, 0)),
            pl.BlockSpec((1, _D), lambda i: (0, 0)),
            pl.BlockSpec((1, _D), lambda i: (0, 0)),
            pl.BlockSpec((1, 1), lambda i: (0, 0)),
        ],
        out_specs=pl.BlockSpec((1, _G, 128), lambda i: (i, 0, 0)),
        out_shape=jax.ShapeDtypeStruct((_NBS, _G, 128), jnp.float32),
    )

_NC = 2
_NS = 16
_NW = _NC * _NS
_FPW = _NSL // _NW
_SEG_PAD = 100096
_SLICE = _SEG_PAD // _NS


def _segsum_body(slab, v_hbm, ids_hbm, out_hbm, idx_v, val_v, zer_v, acc_sh,
                 sem_i, sem_v):
    cid = lax.axis_index("c")
    sid = lax.axis_index("s")
    wid = cid * _NS + sid

    ld_i = pltpu.async_copy(
        ids_hbm.at[pl.ds(slab * _NSL + wid * _FPW, _FPW)], idx_v, sem_i)
    ld_v = pltpu.async_copy(v_hbm.at[pl.ds(wid * _FPW, _FPW)], val_v, sem_v)

    z16 = jnp.zeros((16,), jnp.float32)

    def zbody(i, carry):
        zer_v[pl.ds(i * 16, 16)] = z16
        return carry

    lax.fori_loop(0, _SLICE // 16, zbody, 0)
    pltpu.sync_copy(zer_v, acc_sh.at[pl.ds(sid * _SLICE, _SLICE)])
    plsc.subcore_barrier()

    ld_i.wait()
    ld_v.wait()
    pltpu.sync_copy(val_v, acc_sh.at[idx_v], add=True)
    plsc.subcore_barrier()

    pltpu.sync_copy(acc_sh.at[pl.ds(sid * _SLICE, _SLICE)], zer_v)
    pltpu.sync_copy(zer_v,
                    out_hbm.at[pl.ds(cid * _SEG_PAD + sid * _SLICE, _SLICE)])


@functools.cache
def _make_segsum(slab):
    mesh = plsc.VectorSubcoreMesh(core_axis_name="c", subcore_axis_name="s",
                                  num_cores=_NC)
    return pl.kernel(
        functools.partial(_segsum_body, slab),
        out_type=jax.ShapeDtypeStruct((_NC * _SEG_PAD,), jnp.float32),
        mesh=mesh,
        scratch_types=[
            pltpu.VMEM((_FPW,), jnp.int32),
            pltpu.VMEM((_FPW,), jnp.float32),
            pltpu.VMEM((_SLICE,), jnp.float32),
            pltpu.VMEM_SHARED((_SEG_PAD,), jnp.float32),
            pltpu.SemaphoreType.DMA,
            pltpu.SemaphoreType.DMA,
        ],
        name=f"segsum_slab{slab}",
    )


def kernel(embedding, fragment_cellxgene_ix, cell_n, gene_n,
           W1, b1, W2, b2, W3, b3):
    b1r, b2r = b1.reshape(1, _D), b2.reshape(1, _D)
    w3r, b3r = W3.reshape(1, _D), b3.reshape(1, 1)
    out = None
    for slab in range(_K):
        v = _make_mlp(slab)(embedding, W1, b1r, W2, b2r, w3r, b3r)
        parts = _make_segsum(slab)(v.reshape(-1), fragment_cellxgene_ix)
        acc = parts[:_SEG] + parts[_SEG_PAD:_SEG_PAD + _SEG]
        out = acc if out is None else out + acc
    return out.reshape(100, 1000, 1)

# --- scband reference (transcript-rebuilt; emitter-appended) ---
"""Pipeline reference for scband-embedding-gene-pooler-39006892982598 (READ-ONLY COPY).

The authoritative reference and input builder live on the scoring server;
editing this copy changes nothing except your own understanding.
"""

import jax, jax.numpy as jnp
import numpy as np

N_FRAG = 320000
D = 128
CELL_N = 100
GENE_N = 1000


def setup_inputs(seed: int = 0) -> dict:
    key = jax.random.key(seed)
    ks = jax.random.split(key, 8)
    embedding = jax.random.normal(ks[0], (N_FRAG, D), dtype=jnp.float32)
    fragment_cellxgene_ix = jnp.sort(
        jax.random.randint(ks[1], (N_FRAG,), 0, CELL_N * GENE_N, dtype=jnp.int32)
    )
    s = 1.0 / np.sqrt(D)
    W1 = jax.random.uniform(ks[2], (D, D), jnp.float32, -s, s)
    b1 = jax.random.uniform(ks[3], (D,), jnp.float32, -s, s)
    W2 = jax.random.uniform(ks[4], (D, D), jnp.float32, -s, s)
    b2 = jax.random.uniform(ks[5], (D,), jnp.float32, -s, s)
    # last linear weight is zero-initialized in the torch module; bias keeps default init
    W3 = jnp.zeros((D, 1), dtype=jnp.float32)
    b3 = jax.random.uniform(ks[6], (1,), jnp.float32, -s, s)
    return {
        "embedding": embedding,
        "fragment_cellxgene_ix": fragment_cellxgene_ix,
        "cell_n": CELL_N,
        "gene_n": GENE_N,
        "W1": W1, "b1": b1, "W2": W2, "b2": b2, "W3": W3, "b3": b3,
    }


def reference(embedding, fragment_cellxgene_ix, cell_n, gene_n, W1, b1, W2, b2, W3, b3):
    h = jax.nn.relu(embedding @ W1 + b1)
    h = jax.nn.relu(h @ W2 + b2)
    out = h @ W3 + b3  # [N, 1]
    zero_dep = (jnp.asarray(cell_n) * jnp.asarray(gene_n) * 0).astype(
        fragment_cellxgene_ix.dtype
    )
    segment_ids = fragment_cellxgene_ix + zero_dep
    cellxgene_embedding = jax.ops.segment_sum(
        out, segment_ids, num_segments=CELL_N * GENE_N
    )
    cell_gene_embedding = cellxgene_embedding.reshape((CELL_N, GENE_N, out.shape[-1]))
    return cell_gene_embedding

if __name__ == "__main__":
    import jax
    _d = setup_inputs()
    print(jax.jit(kernel)(*tuple(_d.values())))

</pallas_src>

<mosaic_0001>
#map = affine_map<(d0, d1) -> (0)>
module attributes {stable_mosaic.version = 14 : i64} {
  func.func @segsum_slab0(%arg0: i32, %arg1: i32, %arg2: memref<320000xf32, #tpu.memory_space<hbm>>, %arg3: memref<320000xi32, #tpu.memory_space<hbm>>, %arg4: memref<200192xf32, #tpu.memory_space<hbm>>, %arg5: memref<10000xi32, #tpu.memory_space<vmem>>, %arg6: memref<10000xf32, #tpu.memory_space<vmem>>, %arg7: memref<6256xf32, #tpu.memory_space<vmem>>, %arg8: memref<100096xf32, #tpu.memory_space<vmem_shared>>, %arg9: memref<!tpu.dma_semaphore, #tpu.memory_space<semaphore_mem>>, %arg10: memref<!tpu.dma_semaphore, #tpu.memory_space<semaphore_mem>>) attributes {dimension_semantics = [#tpu.dimension_semantics<core_parallel>, #tpu.dimension_semantics<subcore_parallel>], iteration_bounds = array<i64: 2, 16>, scalar_prefetch = 0 : i64, scratch_operands = 6 : i64, tpu.core_type = #tpu.core_type<sc_vector_subcore>, window_params = [{transform_indices = #map}, {transform_indices = #map}, {transform_indices = #map}]} {
    %mul3A = arith.constant 16 : i32
    %mul3A_0 = arith.muli %arg0, %mul3A : i32
    %add3A = arith.addi %mul3A_0, %arg1 : i32
    %mul3A_1 = arith.constant 10000 : i32
    %mul3A_2 = arith.muli %add3A, %mul3A_1 : i32
    %add3A_3 = arith.constant 0 : i32
    %add3A_4 = arith.addi %add3A_3, %mul3A_2 : i32
    %dma_start3A = tpu.memref_slice %arg3[%add3A_4] : memref<320000xi32, #tpu.memory_space<hbm>> -> memref<10000xi32, #tpu.memory_space<hbm>>
    %dma_start3A_5 = tpu.memref_slice %arg3[%add3A_4] : memref<320000xi32, #tpu.memory_space<hbm>> -> memref<10000xi32, #tpu.memory_space<hbm>>
    tpu.enqueue_dma source(%dma_start3A_5 : memref<10000xi32, #tpu.memory_space<hbm>>) target(%arg5 : memref<10000xi32, #tpu.memory_space<vmem>>) target_semaphore(%arg9 : memref<!tpu.dma_semaphore, #tpu.memory_space<semaphore_mem>>)
    %mul3A_6 = arith.constant 10000 : i32
    %mul3A_7 = arith.muli %add3A, %mul3A_6 : i32
    %dma_start3A_8 = tpu.memref_slice %arg2[%mul3A_7] : memref<320000xf32, #tpu.memory_space<hbm>> -> memref<10000xf32, #tpu.memory_space<hbm>>
    %dma_start3A_9 = tpu.memref_slice %arg2[%mul3A_7] : memref<320000xf32, #tpu.memory_space<hbm>> -> memref<10000xf32, #tpu.memory_space<hbm>>
    tpu.enqueue_dma source(%dma_start3A_9 : memref<10000xf32, #tpu.memory_space<hbm>>) target(%arg6 : memref<10000xf32, #tpu.memory_space<vmem>>) target_semaphore(%arg10 : memref<!tpu.dma_semaphore, #tpu.memory_space<semaphore_mem>>)
    %broadcast_in_dim3A = arith.constant 0.000000e+00 : f32
    %broadcast_in_dim3A_10 = vector.broadcast %broadcast_in_dim3A : f32 to vector<16xf32>
    %scan3A = arith.constant 0 : i32
    %scan3A_11 = arith.constant 0 : i32
    %scan3A_12 = arith.constant 391 : i32
    %scan3A_13 = arith.addi %scan3A_11, %scan3A_12 : i32
    %scan3A_14 = arith.constant 1 : i32
    scf.for %scan3A_29 = %scan3A_11 to %scan3A_13 step %scan3A_14  : i32 {
      %mul3A_30 = arith.constant 16 : i32
      %mul3A_31 = arith.muli %scan3A_29, %mul3A_30 : i32
      %swap3A = arith.index_cast %mul3A_31 : i32 to index
      %swap3A_32 = tpu.vector_load %arg7[%swap3A] {strides = array<i32>} : memref<6256xf32, #tpu.memory_space<vmem>>, vector<16xf32>,
      %swap3A_33 = vector.shape_cast %swap3A_32 : vector<16xf32> to vector<16xf32>
      %swap3A_34 = vector.shape_cast %broadcast_in_dim3A_10 : vector<16xf32> to vector<16xf32>
      tpu.vector_store %arg7[%swap3A], %swap3A_34 {strides = array<i32>} : memref<6256xf32, #tpu.memory_space<vmem>>, vector<16xf32>,
    }
    %scan3A_15 = arith.constant 391 : i32
    %mul3A_16 = arith.constant 6256 : i32
    %mul3A_17 = arith.muli %arg1, %mul3A_16 : i32
    "tpu.region"() ({
      %run_scoped3A = tpu.sem_alloc : memref<!tpu.dma_semaphore, #tpu.memory_space<semaphore_mem>>
      %dma_start3A_29 = tpu.memref_slice %arg8[%mul3A_17] : memref<100096xf32, #tpu.memory_space<vmem_shared>> -> memref<6256xf32, #tpu.memory_space<vmem_shared>>
      %dma_start3A_30 = tpu.memref_slice %arg8[%mul3A_17] : memref<100096xf32, #tpu.memory_space<vmem_shared>> -> memref<6256xf32, #tpu.memory_space<vmem_shared>>
      tpu.enqueue_dma source(%arg7 : memref<6256xf32, #tpu.memory_space<vmem>>) target(%dma_start3A_30 : memref<6256xf32, #tpu.memory_space<vmem_shared>>) target_semaphore(%run_scoped3A : memref<!tpu.dma_semaphore, #tpu.memory_space<semaphore_mem>>)
      %dma_wait3A_31 = tpu.memref_slice %arg8[%mul3A_17] : memref<100096xf32, #tpu.memory_space<vmem_shared>> -> memref<6256xf32, #tpu.memory_space<vmem_shared>>
      %dma_wait3A_32 = tpu.memref_slice %arg8[%mul3A_17] : memref<100096xf32, #tpu.memory_space<vmem_shared>> -> memref<6256xf32, #tpu.memory_space<vmem_shared>>
      tpu.wait_dma2 semaphore(%run_scoped3A : memref<!tpu.dma_semaphore, #tpu.memory_space<semaphore_mem>>) src(%arg7 : memref<6256xf32, #tpu.memory_space<vmem>>) dst(%dma_wait3A_32 : memref<6256xf32, #tpu.memory_space<vmem_shared>>)
      tpu.yield
    }) : () -> ()
    %barrier3A = arith.constant 0 : index
    tpu.barrier barrier_id(%barrier3A)
    %dma_wait3A = tpu.memref_slice %arg3[%add3A_4] : memref<320000xi32, #tpu.memory_space<hbm>> -> memref<10000xi32, #tpu.memory_space<hbm>>
    %dma_wait3A_18 = tpu.memref_slice %arg3[%add3A_4] : memref<320000xi32, #tpu.memory_space<hbm>> -> memref<10000xi32, #tpu.memory_space<hbm>>
    tpu.wait_dma2 semaphore(%arg9 : memref<!tpu.dma_semaphore, #tpu.memory_space<semaphore_mem>>) src(%dma_wait3A_18 : memref<10000xi32, #tpu.memory_space<hbm>>) dst(%arg5 : memref<10000xi32, #tpu.memory_space<vmem>>)
    %dma_wait3A_19 = tpu.memref_slice %arg2[%mul3A_7] : memref<320000xf32, #tpu.memory_space<hbm>> -> memref<10000xf32, #tpu.memory_space<hbm>>
    %dma_wait3A_20 = tpu.memref_slice %arg2[%mul3A_7] : memref<320000xf32, #tpu.memory_space<hbm>> -> memref<10000xf32, #tpu.memory_space<hbm>>
    tpu.wait_dma2 semaphore(%arg10 : memref<!tpu.dma_semaphore, #tpu.memory_space<semaphore_mem>>) src(%dma_wait3A_20 : memref<10000xf32, #tpu.memory_space<hbm>>) dst(%arg6 : memref<10000xf32, #tpu.memory_space<vmem>>)
    "tpu.region"() ({
      %run_scoped3A = tpu.sem_alloc : memref<!tpu.dma_semaphore, #tpu.memory_space<semaphore_mem>>
      %dma_start3A_29 = arith.constant 0 : i32
      %dma_start3A_30 = tpu.memref_slice %arg8[%dma_start3A_29] : memref<100096xf32, #tpu.memory_space<vmem_shared>> -> memref<100096xf32, #tpu.memory_space<vmem_shared>>
      tpu.enqueue_indirect_dma source(%arg6 : memref<10000xf32, #tpu.memory_space<vmem>>) target(%dma_start3A_30 : memref<100096xf32, #tpu.memory_space<vmem_shared>>) offsets(%arg5 : memref<10000xi32, #tpu.memory_space<vmem>>) semaphore(%run_scoped3A : memref<!tpu.dma_semaphore, #tpu.memory_space<semaphore_mem>>) {add = true}
      %dma_wait3A_31 = arith.constant 0 : i32
      %dma_wait3A_32 = tpu.memref_slice %arg8[%dma_wait3A_31] : memref<100096xf32, #tpu.memory_space<vmem_shared>> -> memref<100096xf32, #tpu.memory_space<vmem_shared>>
      tpu.wait_indirect_dma semaphore(%run_scoped3A : memref<!tpu.dma_semaphore, #tpu.memory_space<semaphore_mem>>) src(%arg6 : memref<10000xf32, #tpu.memory_space<vmem>>) dst(%dma_wait3A_32 : memref<100096xf32, #tpu.memory_space<vmem_shared>>)
      tpu.yield
    }) : () -> ()
    %barrier3A_21 = arith.constant 0 : index
    tpu.barrier barrier_id(%barrier3A_21)
    %mul3A_22 = arith.constant 6256 : i32
    %mul3A_23 = arith.muli %arg1, %mul3A_22 : i32
    "tpu.region"() ({
      %run_scoped3A = tpu.sem_alloc : memref<!tpu.dma_semaphore, #tpu.memory_space<semaphore_mem>>
      %dma_start3A_29 = tpu.memref_slice %arg8[%mul3A_23] : memref<100096xf32, #tpu.memory_space<vmem_shared>> -> memref<6256xf32, #tpu.memory_space<vmem_shared>>
      %dma_start3A_30 = tpu.memref_slice %arg8[%mul3A_23] : memref<100096xf32, #tpu.memory_space<vmem_shared>> -> memref<6256xf32, #tpu.memory_space<vmem_shared>>
      tpu.enqueue_dma source(%dma_start3A_30 : memref<6256xf32, #tpu.memory_space<vmem_shared>>) target(%arg7 : memref<6256xf32, #tpu.memory_space<vmem>>) target_semaphore(%run_scoped3A : memref<!tpu.dma_semaphore, #tpu.memory_space<semaphore_mem>>)
      %dma_wait3A_31 = tpu.memref_slice %arg8[%mul3A_23] : memref<100096xf32, #tpu.memory_space<vmem_shared>> -> memref<6256xf32, #tpu.memory_space<vmem_shared>>
      %dma_wait3A_32 = tpu.memref_slice %arg8[%mul3A_23] : memref<100096xf32, #tpu.memory_space<vmem_shared>> -> memref<6256xf32, #tpu.memory_space<vmem_shared>>
      tpu.wait_dma2 semaphore(%run_scoped3A : memref<!tpu.dma_semaphore, #tpu.memory_space<semaphore_mem>>) src(%dma_wait3A_32 : memref<6256xf32, #tpu.memory_space<vmem_shared>>) dst(%arg7 : memref<6256xf32, #tpu.memory_space<vmem>>)
      tpu.yield
    }) : () -> ()
    %mul3A_24 = arith.constant 100096 : i32
    %mul3A_25 = arith.muli %arg0, %mul3A_24 : i32
    %mul3A_26 = arith.constant 6256 : i32
    %mul3A_27 = arith.muli %arg1, %mul3A_26 : i32
    %add3A_28 = arith.addi %mul3A_25, %mul3A_27 : i32
    "tpu.region"() ({
      %run_scoped3A = tpu.sem_alloc : memref<!tpu.dma_semaphore, #tpu.memory_space<semaphore_mem>>
      %dma_start3A_29 = tpu.memref_slice %arg4[%add3A_28] : memref<200192xf32, #tpu.memory_space<hbm>> -> memref<6256xf32, #tpu.memory_space<hbm>>
      %dma_start3A_30 = tpu.memref_slice %arg4[%add3A_28] : memref<200192xf32, #tpu.memory_space<hbm>> -> memref<6256xf32, #tpu.memory_space<hbm>>
      tpu.enqueue_dma source(%arg7 : memref<6256xf32, #tpu.memory_space<vmem>>) target(%dma_start3A_30 : memref<6256xf32, #tpu.memory_space<hbm>>) target_semaphore(%run_scoped3A : memref<!tpu.dma_semaphore, #tpu.memory_space<semaphore_mem>>)
      %dma_wait3A_31 = tpu.memref_slice %arg4[%add3A_28] : memref<200192xf32, #tpu.memory_space<hbm>> -> memref<6256xf32, #tpu.memory_space<hbm>>
      %dma_wait3A_32 = tpu.memref_slice %arg4[%add3A_28] : memref<200192xf32, #tpu.memory_space<hbm>> -> memref<6256xf32, #tpu.memory_space<hbm>>
      tpu.wait_dma2 semaphore(%run_scoped3A : memref<!tpu.dma_semaphore, #tpu.memory_space<semaphore_mem>>) src(%arg7 : memref<6256xf32, #tpu.memory_space<vmem>>) dst(%dma_wait3A_32 : memref<6256xf32, #tpu.memory_space<hbm>>)
      tpu.yield
    }) : () -> ()
    return
  }
}

module attributes {stable_mosaic.version = 14 : i64} {
  func.func @_mlp_body(%arg0: i32, %arg1: memref<32000x128xf32, #tpu.memory_space<vmem>>, %arg2: memref<128x128xf32, #tpu.memory_space<vmem>>, %arg3: memref<1x128xf32, #tpu.memory_space<vmem>>, %arg4: memref<128x128xf32, #tpu.memory_space<vmem>>, %arg5: memref<1x128xf32, #tpu.memory_space<vmem>>, %arg6: memref<1x128xf32, #tpu.memory_space<vmem>>, %arg7: memref<1x1xf32, #tpu.memory_space<vmem>>, %arg8: memref<1x250x128xf32, #tpu.memory_space<vmem>>) attributes {dimension_semantics = [#tpu.dimension_semantics<arbitrary>], iteration_bounds = array<i64: 10>, scalar_prefetch = 0 : i64, scratch_operands = 0 : i64, tpu.core_type = #tpu.core_type<tc>, window_params = [{transform_indices = @transform_0, window_bounds = array<i64: 32000, 128>}, {pipeline_mode = #tpu.pipeline_mode<synchronous>, transform_indices = @transform_1, window_bounds = array<i64: 128, 128>}, {pipeline_mode = #tpu.pipeline_mode<synchronous>, transform_indices = @transform_2, window_bounds = array<i64: 1, 128>}, {pipeline_mode = #tpu.pipeline_mode<synchronous>, transform_indices = @transform_3, window_bounds = array<i64: 128, 128>}, {pipeline_mode = #tpu.pipeline_mode<synchronous>, transform_indices = @transform_4, window_bounds = array<i64: 1, 128>}, {pipeline_mode = #tpu.pipeline_mode<synchronous>, transform_indices = @transform_5, window_bounds = array<i64: 1, 128>}, {pipeline_mode = #tpu.pipeline_mode<synchronous>, transform_indices = @transform_6, window_bounds = array<i64: 1, 1>}, {transform_indices = @transform_7, window_bounds = array<i64: 1, 250, 128>}]} {
    %get3A = arith.constant 0 : index
    %get3A_0 = arith.constant 0 : index
    %get3A_1 = vector.load %arg1[%get3A, %get3A_0] : memref<32000x128xf32, #tpu.memory_space<vmem>>, vector<32000x128xf32>
    %convert_element_type3A = arith.truncf %get3A_1 : vector<32000x128xf32> to vector<32000x128xbf16>
    %get3A_2 = arith.constant 0 : index
    %get3A_3 = arith.constant 0 : index
    %get3A_4 = vector.load %arg2[%get3A_2, %get3A_3] : memref<128x128xf32, #tpu.memory_space<vmem>>, vector<128x128xf32>
    %convert_element_type3A_5 = arith.truncf %get3A_4 : vector<128x128xf32> to vector<128x128xbf16>
    %dot_general3A = arith.constant dense<0.000000e+00> : vector<32000x128xf32>
    %dot_general3A_6 = tpu.matmul %convert_element_type3A, %convert_element_type3A_5, %dot_general3A {dimension_numbers = #tpu.dot_dimension_numbers<[1], [0], [0], [1], [0, 0, 1, 1], [], []>, transpose_lhs_hint = false} : vector<32000x128xbf16>, vector<128x128xbf16>, vector<32000x128xf32> -> vector<32000x128xf32>
    %get3A_7 = arith.constant 0 : index
    %get3A_8 = arith.constant 0 : index
    %get3A_9 = vector.load %arg3[%get3A_7, %get3A_8] : memref<1x128xf32, #tpu.memory_space<vmem>>, vector<1x128xf32>
    %add3A = vector.broadcast %get3A_9 : vector<1x128xf32> to vector<32000x128xf32>
    %add3A_10 = arith.addf %dot_general3A_6, %add3A : vector<32000x128xf32>
    %max3A = arith.constant 0.000000e+00 : f32
    %max3A_11 = vector.broadcast %max3A : f32 to vector<32000x128xf32>
    %max3A_12 = arith.maximumf %add3A_10, %max3A_11 : vector<32000x128xf32>
    %convert_element_type3A_13 = arith.truncf %max3A_12 : vector<32000x128xf32> to vector<32000x128xbf16>
    %get3A_14 = arith.constant 0 : index
    %get3A_15 = arith.constant 0 : index
    %get3A_16 = vector.load %arg4[%get3A_14, %get3A_15] : memref<128x128xf32, #tpu.memory_space<vmem>>, vector<128x128xf32>
    %convert_element_type3A_17 = arith.truncf %get3A_16 : vector<128x128xf32> to vector<128x128xbf16>
    %dot_general3A_18 = arith.constant dense<0.000000e+00> : vector<32000x128xf32>
    %dot_general3A_19 = tpu.matmul %convert_element_type3A_13, %convert_element_type3A_17, %dot_general3A_18 {dimension_numbers = #tpu.dot_dimension_numbers<[1], [0], [0], [1], [0, 0, 1, 1], [], []>, transpose_lhs_hint = false} : vector<32000x128xbf16>, vector<128x128xbf16>, vector<32000x128xf32> -> vector<32000x128xf32>
    %get3A_20 = arith.constant 0 : index
    %get3A_21 = arith.constant 0 : index
    %get3A_22 = vector.load %arg5[%get3A_20, %get3A_21] : memref<1x128xf32, #tpu.memory_space<vmem>>, vector<1x128xf32>
    %add3A_23 = vector.broadcast %get3A_22 : vector<1x128xf32> to vector<32000x128xf32>
    %add3A_24 = arith.addf %dot_general3A_19, %add3A_23 : vector<32000x128xf32>
    %max3A_25 = arith.constant 0.000000e+00 : f32
    %max3A_26 = vector.broadcast %max3A_25 : f32 to vector<32000x128xf32>
    %max3A_27 = arith.maximumf %add3A_24, %max3A_26 : vector<32000x128xf32>
    %get3A_28 = arith.constant 0 : index
    %get3A_29 = arith.constant 0 : index
    %get3A_30 = vector.load %arg6[%get3A_28, %get3A_29] : memref<1x128xf32, #tpu.memory_space<vmem>>, vector<1x128xf32>
    %mul3A = vector.broadcast %get3A_30 : vector<1x128xf32> to vector<32000x128xf32>
    %mul3A_31 = arith.mulf %max3A_27, %mul3A : vector<32000x128xf32>
    %reduce_sum3A = arith.constant dense<0.000000e+00> : vector<32000xf32>
    %reduce_sum3A_32 = vector.multi_reduction <add>, %mul3A_31, %reduce_sum3A [1] : vector<32000x128xf32> to vector<32000xf32>
    %get3A_33 = arith.constant 0 : index
    %get3A_34 = arith.constant 0 : index
    %get3A_35 = vector.load %arg7[%get3A_33, %get3A_34] : memref<1x1xf32, #tpu.memory_space<vmem>>, vector<1x1xf32>
    %get3A_36 = vector.extract %get3A_35[0, 0] : f32 from vector<1x1xf32>
    %add3A_37 = vector.broadcast %get3A_36 : f32 to vector<32000xf32>
    %add3A_38 = arith.addf %reduce_sum3A_32, %add3A_37 : vector<32000xf32>
    %reshape3A = vector.shape_cast %add3A_38 : vector<32000xf32> to vector<1x250x128xf32>
    %swap3A = arith.constant 0 : index
    %swap3A_39 = arith.constant 0 : index
    %swap3A_40 = arith.constant 0 : index
    %swap3A_41 = vector.load %arg8[%swap3A, %swap3A_39, %swap3A_40] : memref<1x250x128xf32, #tpu.memory_space<vmem>>, vector<1x250x128xf32>
    tpu.vector_store %arg8[%swap3A, %swap3A_39, %swap3A_40], %reshape3A {strides = array<i32>} : memref<1x250x128xf32, #tpu.memory_space<vmem>>, vector<1x250x128xf32>,
    return
  }
  func.func @transform_0(%arg0: i32) -> (i32, i32) {
    %add3A = arith.constant 0 : i32
    %add3A_0 = arith.addi %add3A, %arg0 : i32
    %c0_i32 = arith.constant 0 : i32
    %c0_i32_1 = arith.constant 0 : i32
    return %add3A_0, %c0_i32 : i32, i32
  }
  func.func @transform_1(%arg0: i32) -> (i32, i32) {
    %c0_i32 = arith.constant 0 : i32
    %c0_i32_0 = arith.constant 0 : i32
    %c0_i32_1 = arith.constant 0 : i32
    return %c0_i32, %c0_i32_0 : i32, i32
  }
  func.func @transform_2(%arg0: i32) -> (i32, i32) {
    %c0_i32 = arith.constant 0 : i32
    %c0_i32_0 = arith.constant 0 : i32
    %c0_i32_1 = arith.constant 0 : i32
    return %c0_i32, %c0_i32_0 : i32, i32
  }
  func.func @transform_3(%arg0: i32) -> (i32, i32) {
    %c0_i32 = arith.constant 0 : i32
    %c0_i32_0 = arith.constant 0 : i32
    %c0_i32_1 = arith.constant 0 : i32
    return %c0_i32, %c0_i32_0 : i32, i32
  }
  func.func @transform_4(%arg0: i32) -> (i32, i32) {
    %c0_i32 = arith.constant 0 : i32
    %c0_i32_0 = arith.constant 0 : i32
    %c0_i32_1 = arith.constant 0 : i32
    return %c0_i32, %c0_i32_0 : i32, i32
  }
  func.func @transform_5(%arg0: i32) -> (i32, i32) {
    %c0_i32 = arith.constant 0 : i32
    %c0_i32_0 = arith.constant 0 : i32
    %c0_i32_1 = arith.constant 0 : i32
    return %c0_i32, %c0_i32_0 : i32, i32
  }
  func.func @transform_6(%arg0: i32) -> (i32, i32) {
    %c0_i32 = arith.constant 0 : i32
    %c0_i32_0 = arith.constant 0 : i32
    %c0_i32_1 = arith.constant 0 : i32
    return %c0_i32, %c0_i32_0 : i32, i32
  }
  func.func @transform_7(%arg0: i32) -> (i32, i32, i32) {
    %c0_i32 = arith.constant 0 : i32
    %c0_i32_0 = arith.constant 0 : i32
    %c0_i32_1 = arith.constant 0 : i32
    return %arg0, %c0_i32, %c0_i32_0 : i32, i32, i32
  }
}

</mosaic_0001>

<sc_bundles>
// kernel: segsum_slab0.3.cloned.1.call-start
scs
__scs_entry_jumppad:
0x0: {  	(pc) =	sbr.rel $0x88, $3  }
0x1: {  	(tag) =	ssettag $0x0;
	lr =	simm.s32 $0x1  }
0x2: {  	[smem:$0x3F99] =	sst lr;
	_ =	strace $0xD0000000  }
0x3: {  	_ = 	snop  }
0x4: {  	_ = 	snop  }
0x5: {  	_ = 	snop  }
0x6: {  	_ = 	snop  }
0x7: {  	_ = 	snop  }
__scs_overlays_trampoline_lowered:
0x8: {  	[smem:$0x3FA8] =	sst s0  }
0x9: {  	[smem:$0x3FA9] =	sst s1  }
0xa: {  	[smem:$0x3FAA] =	sst s2  }
0xb: {  	[smem:$0x3FAB] =	sst s3  }
0xc: {  	[smem:$0x3FAC] =	sst s4  }
0xd: {  	[smem:$0x3FAD] =	sst s5  }
0xe: {  	[smem:$0x3FAE] =	sst s6  }
0xf: {  	[smem:$0x3FAF] =	sst s7  }
0x10: {  	[smem:$0x3FB0] =	sst s8  }
0x11: {  	[smem:$0x3FB1] =	sst s9;
	s0 =	simm.s32 @!p0 $0x0  }
0x12: {  	s1 =	sld [smem:$0x3F97];
	s0 =	simm.s32 @p0 $0x1  }
0x13: {  	[smem:$0x3FB2] =	sst s0;
	s0 =	simm.s32 @!p1 $0x0  }
0x14: {  	s2 =	sld [smem:$0x3F96];
	s0 =	simm.s32 @p1 $0x1  }
0x15: {  	[smem:$0x3FB3] =	sst s0;
	s0 =	simm.s32 @!p2 $0x0  }
0x16: {  	s3 =	sld [smem:$0x3FDB];
	s0 =	simm.s32 @p2 $0x1  }
0x17: {  	s4 =	simm.s32 $0x1BF5;
	[smem:$0x3FB5] =	sst s0  }
0x18: {  	s0 =	sld [smem:$0x3F98];
	_ =	swait.ge [sflag:s4], $0x0  }
0x19: {  	s7 =	sld [smem:$0x3F99]  }
0x1a: {  	s8 =	sadd.s32 $0xFFFFE003, lr  }
0x1b: {  	s9 =	sadd.s32 $0xFFFFFEF7, lr;
	s5 =	simm.s32 $0xFFFFFFFF;
	p2 =	slt.u32 s8, $0xFFFFF086  }
0x1c: {  	p1 =	slt.u32 s9, $0xF7A;
	s5 =	simm.s32 @!p2 $0x0  }
0x1d: {  	s5 =	simm.s32 @p1 $0x1;
	p0 =	seq.s32 s7, s2  }
0x1e: {  	s7 =	smul.u32 @!p0 $0xF7A, s2;
	p2 =	seq.s32 @!p0 s5, $0x0  }
0x1f: {  	s9 =	smul.u32 $0xF7A, s1;
	s8 =	simm.s32 @!p0 $0x1BF5;
	p2 =	por !p2, p0  }
0x20: {  	[sflag:s8] =	ssyncset.s32 @!p0 $0xFFFFF086;
	s6 =	sadd.s32 @!p0 s3, s7;
	s7 =	simm.s32 @!p0 $0x108  }
0x21: {  	s3 =	sadd.s32 s3, s9;
	s6 =	sadd.s32 @!p0 $0x88, s6;
	s7 =	simm.s32 @p2 $0x1082  }
0x22: {  	[simem:s7], [sflag:s8] =	dma.local @!p0 [hbm:s6], $0xF7A  }
0x23: {  	s9 =	sor.u32 $0xD0000000, s2;
	s6 =	simm.s32 $0x108;
	_ =	swait.ge @!p0 [sflag:s8], $0x0  }
0x24: {  	s3 =	sadd.s32 $0x88, s3;
	s6 =	simm.s32 @!p1 $0x1082;
	[sflag:s4] =	ssyncset.s32 $0xFFFFF086  }
0x25: {  	[simem:s6], [sflag:s4] =	dma.local [hbm:s3], $0xF7A  }
0x26: {  	[smem:$0x3F99] =	sst s1;
	(tag) =	ssettag s2;
	_ =	strace s9  }
0x27: {  	s1 =	sld [smem:$0x3FA9]  }
0x28: {  	s2 =	sld [smem:$0x3FAA]  }
0x29: {  	s4 =	sld [smem:$0x3FAC]  }
0x2a: {  	p0 =	seq.s32 s5, $0x0;
	s5 =	sld [smem:$0x3FAD]  }
0x2b: {  	s6 =	sld [smem:$0x3FAE]  }
0x2c: {  	s7 =	sld [smem:$0x3FAF]  }
0x2d: {  	s3 =	simm.s32 $0x108;
	s8 =	sld [smem:$0x3FB0]  }
0x2e: {  	s3 =	simm.s32 @!p0 $0x1082;
	s9 =	sld [smem:$0x3FB1]  }
0x2f: {  	lr =	sadd.s32 s0, s3;
	s0 =	sld [smem:$0x3FA8]  }
0x30: {  	s3 =	sld [smem:$0x3FAB]  }
0x31: {  	[smem:$0x3FB4] =	sst s10  }
0x32: {  	s10 =	sld [smem:$0x3FB2];
	_ =	sdelay $0x3  }
0x33: {  	p0 =	seq.s32 s10, $0x1;
	s10 =	sld [smem:$0x3FB4];
	_ =	sdelay $0x3  }
0x34: {  	[smem:$0x3FB4] =	sst s10  }
0x35: {  	s10 =	sld [smem:$0x3FB3];
	_ =	sdelay $0x3  }
0x36: {  	p1 =	seq.s32 s10, $0x1;
	s10 =	sld [smem:$0x3FB4];
	_ =	sdelay $0x3  }
0x37: {  	[smem:$0x3FB4] =	sst s10  }
0x38: {  	s10 =	sld [smem:$0x3FB5]  }
0x39: {  	_ = 	snop;
	(pc) =	sbr.ind lr, $3  }
0x3a: {  	_ = 	snop  }
0x3b: {  	_ = 	snop  }
0x3c: {  	p2 =	seq.s32 s10, $0x1;
	s10 =	sld [smem:$0x3FB4]  }
0x3d: {  	_ =	shalt  }
0x3e: {  	_ =	shalt  }
0x3f: {  	_ =	shalt  }
0x40: {  	_ =	shalt  }
0x41: {  	_ =	shalt  }
0x42: {  	_ =	shalt  }
0x43: {  	_ =	shalt  }
0x44: {  	_ =	shalt  }
0x45: {  	_ =	shalt  }
0x46: {  	_ =	shalt  }
0x47: {  	_ =	shalt  }
0x48: {  	_ =	shalt  }
0x49: {  	_ =	shalt  }
0x4a: {  	_ =	shalt  }
0x4b: {  	_ =	shalt  }
0x4c: {  	_ =	shalt  }
0x4d: {  	_ =	shalt  }
0x4e: {  	_ =	shalt  }
0x4f: {  	_ =	shalt  }
0x50: {  	_ =	shalt  }
0x51: {  	_ =	shalt  }
0x52: {  	_ =	shalt  }
0x53: {  	_ =	shalt  }
0x54: {  	_ =	shalt  }
0x55: {  	_ =	shalt  }
0x56: {  	_ =	shalt  }
0x57: {  	_ =	shalt  }
0x58: {  	_ =	shalt  }
0x59: {  	_ =	shalt  }
0x5a: {  	_ =	shalt  }
0x5b: {  	_ =	shalt  }
0x5c: {  	_ =	shalt  }
0x5d: {  	_ =	shalt  }
0x5e: {  	_ =	shalt  }
0x5f: {  	_ =	shalt  }
0x60: {  	_ =	shalt  }
0x61: {  	_ =	shalt  }
0x62: {  	_ =	shalt  }
0x63: {  	_ =	shalt  }
0x64: {  	_ =	shalt  }
0x65: {  	_ =	shalt  }
0x66: {  	_ =	shalt  }
0x67: {  	_ =	shalt  }
0x68: {  	_ =	shalt  }
0x69: {  	_ =	shalt  }
0x6a: {  	_ =	shalt  }
0x6b: {  	_ =	shalt  }
0x6c: {  	_ =	shalt  }
0x6d: {  	_ =	shalt  }
0x6e: {  	_ =	shalt  }
0x6f: {  	_ =	shalt  }
0x70: {  	_ =	shalt  }
0x71: {  	_ =	shalt  }
0x72: {  	_ =	shalt  }
0x73: {  	_ =	shalt  }
0x74: {  	_ =	shalt  }
0x75: {  	_ =	shalt  }
0x76: {  	_ =	shalt  }
0x77: {  	_ =	shalt  }
0x78: {  	_ =	shalt  }
0x79: {  	_ =	shalt  }
0x7a: {  	_ =	shalt  }
0x7b: {  	_ =	shalt  }
0x7c: {  	_ =	shalt  }
0x7d: {  	_ =	shalt  }
0x7e: {  	_ =	shalt  }
0x7f: {  	_ =	shalt  }
0x80: {  	_ =	shalt  }
0x81: {  	_ =	shalt  }
0x82: {  	_ =	shalt  }
0x83: {  	_ =	shalt  }
0x84: {  	_ =	shalt  }
0x85: {  	_ =	shalt  }
0x86: {  	_ =	shalt  }
0x87: {  	_ =	shalt  }
.Lfunc_end0:
.L_simem_size_0:
called_computation_lowered:
.L_overlay_start_0:
0x88: {  	s2 =	sld [smem:$0x3FD9]  }
0x89: {  	s3 =	sld [smem:$0x3FFE];
	_ =	sdelay $0x1  }
0x8a: {  	s1 =	srdreg.scid  }
0x8b: {  	s0 =	sand.u32 $0x1, s1  }
0x8c: {  	s17 =	sshll.u32 s0, $0xA;
	s2 =	sadd.s32 s3, s2  }
0x8d: {  	s2 =	sadd.s32 s2, s17  }
0x8e: {  	[smem:$0x3FC0] =	sst s2  }
0x8f: {  	_ = 	snop  }
0x90: {  	s2 =	sld [smem:$0x3FC8];
	(tm) =	ssettm $0x1  }
0x91: {  	s18 =	sld [smem:$0x3FFB];
	_ =	sdelay $0x3  }
0x92: {  	_ =	strace s18  }
0x93: {  	s3 =	sld [smem:$0x3FFC];
	_ =	sdelay $0x3  }
0x94: {  	_ =	strace s3  }
0x95: {  	s3 =	sld [smem:$0x3FFD];
	_ =	sdelay $0x3  }
0x96: {  	_ =	strace s3  }
0x97: {  	_ =	strace $0x8FFFFFFF  }
0x98: {  	s19 =	sld [smem:$0x3FDB];
	_ =	sdelay $0x1  }
0x99: {  	s4 =	simm.s32 $_scs_section_size  }
0x9a: {  	s5 =	simm.s32 $_size__tile_overlayer_lowered;
	s6 =	simm.s32 $_tile_overlayer_lowered  }
0x9b: {  	s22 =	simm.s32 $0x1BFF;
	s21 =	sshll.u32 s6, $0x1;
	s3 =	sadd.s32 s4, s19  }
0x9c: {  	s7 =	simm.s32 $0x0;
	s20 =	sshll.u32 s5, $0x1;
	s5 =	sadd.s32 s21, s3  }
0x9d: {  	[timem:s7], [sflag:s22] =	dma.local [hbm:s5], s20  }
0x9e: {  	_ =	swait.ge [sflag:s22], s20  }
0x9f: {  	s4 =	ssub.s32 $0x0, s20;
	[sflag:s22] =	ssyncset.done $0x0  }
0xa0: {  	[sflag:s22] =	ssyncadd.s32 s4;
	_ =	sdelay $0x1  }
0xa1: {  	s23 =	simm.s32 $0x1B8B  }
0xa2: {  	_ =	swait.ge [sflag:s23], $0x1  }
0xa3: {  	[sflag:s23] =	ssyncset.done $0x0  }
0xa4: {  	s25 =	simm.s32 $0x1B8E;
	s24 =	sld [smem:$0x3FFE];
	[sflag:s23] =	ssyncadd.s32 $0xFFFFFFFF  }
0xa5: {  	s26 =	simm.s32 $execute0_lowered;
	[smem:$0x3FD2] =	sst s25  }
0xa6: {  	s5 =	sshll.u32 s26, $0x1;
	_ =	strace $0x80000046;
	[dreg:$0x1] =	wrdreg $0xFFFFFFFF  }
0xa7: {  	s28 =	simm.s32 $_size_execute0_lowered;
	s3 =	sadd.s32 s3, s5;
	[dreg:$0x0] =	wrdreg $0x0  }
0xa8: {  	s5 =	sshll.u32 s28, $0x1;
	[dreg:$0x2] =	wrdreg s3  }
0xa9: {  	[dreg:$0x3] =	wrdreg s5  }
0xaa: {  	[dreg:$0x4] =	wrdreg $0xC0  }
0xab: {  	_ =	task [dreg:s7], $0x5FFFF  }
0xac: {  	[dreg:$0x1] =	wrdreg $0xFFFFFFFF  }
0xad: {  	[dreg:$0x0] =	wrdreg $0x60  }
0xae: {  	[dreg:$0x2] =	wrdreg s24  }
0xaf: {  	[dreg:$0x3] =	wrdreg s2  }
0xb0: {  	[dreg:$0x4] =	wrdreg $0x67800  }
0xb1: {  	[dreg:$0x5] =	wrdreg $0x9  }
0xb2: {  	_ =	task.clear_ibuf [dreg:s7], $0x6FFFF;
	_ =	strace $0x90000046  }
0xb3: {  	s29 =	simm.s32 $0x9;
	_ =	strace $0x80000048  }
0xb4: {  	_ =	swait.ge [sflag:s29], $0x1  }
0xb5: {  	[sflag:s29] =	ssyncadd.s32 $0xFFFFFFFF  }
0xb6: {  	_ =	strace $0x90000048  }
0xb7: {  	_ =	sfence  }
0xb8: {  	s30 =	sld [smem:$0x0];
	_ =	sdelay $0x2  }
0xb9: {  	s31 =	sshll.u32 s1, $0xD;
	s1 =	sshrl.u32 s1, $0x2  }
0xba: {  	s3 =	sand.u32 $0x4000, s31;
	s1 =	sadd.s32 s1, s30  }
0xbb: {  	s0 =	sor.u32 s3, s0;
	s1 =	sshll.u32 s1, $0x11  }
0xbc: {  	s0 =	sor.u32 s1, s0  }
0xbd: {  	s0 =	sadd.s32 $0x8F2B, s0  }
0xbe: {  	[sflag:s0] =	ssyncadd.remote.s32 $0x1  }
0xbf: {  	_ =	sfence.sel $0xFFFF  }
0xc0: {  	[dreg:$0x0] =	wrdreg $0xFFFFFFFF;
	(pc) =	sbr.abs _section_cstart, $3  }
0xc1: {  	[dreg:$0x1] =	wrdreg $0xFFFFFFFF  }
0xc2: {  	_ =	task.clear_ibuf [dreg:s7], $0x2FFFF;
	_ =	strace $0x9FFFFFFF  }
0xc3: {  	(tm) =	ssettm $0x7FFFFFFF  }
tec
execute0_lowered:
.L_overlay_start_1:
0x0: {  	(tag) =	ssettag $0x1  }
0x1: {  	s4 =	rddreg [dreg:$0x0]  }
0x2: {  	s5 =	rddreg [dreg:$0x1]  }
0x3: {  	s2 =	rddreg [dreg:$0x2];
	s3 =	srdreg.scid  }
0x4: {  	s1 =	stileid.u32;
	s0 =	rddreg [dreg:$0x3];
	s12 =	simm.s32 $0x1  }
0x5: {  	s13 =	simm.s32 $0x2;
	s14 =	simm.s32 $0x2710;
	s15 =	simm.s32 $0x0  }
0x6: {  	s6 =	sand.u32 $0x1, s3;
	s7 =	smul.u32 $0x1870, s1;
	s3 =	simm.s32 $0x0  }
0x7: {  	s8 =	sshll.u32 s6, $0x4;
	s9 =	smul.u32 $0x18700, s6;
	[smem:$0x7FF] =	sst s3  }
0x8: {  	s6 =	ssub.s32 $0x2, s6;
	s8 =	sor.u32 s1, s8;
	_ =	strace $0x80000047  }
0x9: {  	s10 =	sshrl.u32 s6, $0x1;
	s8 =	smul.u32 $0x4E2, s8;
	s9 =	sadd.s32 s7, s9  }
0xa: {  	s10 =	ssub.s32 s6, s10;
	s6 =	sadd.s32 s7, s2;
	s9 =	sshrl.u32 s9, $0x3  }
0xb: {  	s11 =	sadd.s32 s8, s4;
	s9 =	sadd.s32 s9, s4;
	s4 =	sadd.s32 s5, s8  }
0xc: {  	s8 =	smax.u32 s10, $0x1;
	s10 =	simm.s32 $0x4F00;
	s5 =	sadd.s32 $0xE00, s11  }
0xd: {  	v0 =	vimm.f32 $0.0e+00;
	s7 =	sadd.s32 $0xAC00, s9;
	s9 =	simm.s32 $0x2780;
	s11 =	simm.s32 $0x3  }
.LBB2_1:
0xe: {  	[tilespmem:s3], [sflag:$0x1] =	stream.linear.gather [hbm4b:s4+s3], $0x2710, $0x38;
	[tilespmem:$0x7FF0] =	vst v63  }
0xf: {  	s16 =	simm.s32 $0x40;
	s17 =	simm.s32 $0x0  }
0x10: {  	[tilespmem:s9], [sflag:$0x2] =	stream.linear.gather [hbm4b:s5+s3], $0x2710, $0x38;
	[tilespmem:$0x7FF0] =	vst v63  }
.LBB2_2:
0x11: {  	p0 =	sne.s32 s16, $0x6180;
	[tilespmem:s17+$0x4F00] =	vst v0;
	s17 =	smov.u32 s16;
	s16 =	sadd.s32 $0x40, s16  }
.Ltmp0:
0x12: {  	(pc) =	sbr.rel @p0 .LBB2_2-.Ltmp0, $2  }
0x13: {  	_ =	sdelay $0x2  }
0x14: {  	s17 =	sshra.s32 s17, $0x2  }
0x15: {  	[tilespmem:s17+$0x4F00] =	vst v0  }
0x16: {  	[spmem:s6] =	stream.linear.scatter [tilespmem:s10], [sflag:$0x3], $0x1870, $0x38;
	[tilespmem:$0x7FF0] =	vst v63  }
0x17: {  	_ =	swait.ge [sflag:s11], $0x1870  }
0x18: {  	[sflag:s11] =	ssyncset.done $0x0  }
0x19: {  	[sflag:s11] =	ssyncadd.s32 $0xFFFFE790  }
0x1a: {  	[bflag:$0x0] =	sbarrier.arrive $0xFFFF  }
0x1b: {  	_ =	swait.ge [sflag:s12], $0x2710  }
0x1c: {  	[sflag:s12] =	ssyncset.done $0x0  }
0x1d: {  	[sflag:s12] =	ssyncadd.s32 $0xFFFFD8F0  }
0x1e: {  	_ =	swait.ge [sflag:s13], $0x2710  }
0x1f: {  	[sflag:s13] =	ssyncset.done $0x0  }
0x20: {  	[sflag:s13] =	ssyncadd.s32 $0xFFFFD8F0  }
0x21: {  	[spmem:s2] =	stream.indirect.scatter.add.f32 [tilespmem:s9], [sflag:$0x3], $0x1, s3, s14, $0xb8;
	[tilespmem:$0x7FF0] =	vst v63  }
0x22: {  	_ =	swait.ge [sflag:s11], $0x2710  }
0x23: {  	[sflag:s11] =	ssyncset.done $0x0  }
0x24: {  	[sflag:s11] =	ssyncadd.s32 $0xFFFFD8F0  }
0x25: {  	[bflag:$0x0] =	sbarrier.arrive $0xFFFF  }
0x26: {  	[tilespmem:s10], [sflag:$0x3] =	stream.linear.gather [spmem:s6], $0x1870, $0x38;
	[tilespmem:$0x7FF0] =	vst v63  }
0x27: {  	s15 =	sadd.s32 $0x1, s15;
	_ =	swait.ge [sflag:s11], $0x1870  }
0x28: {  	p0 =	sne.s32 s15, s8;
	[sflag:s11] =	ssyncset.done $0x0  }
.Ltmp1:
0x29: {  	[sflag:s11] =	ssyncadd.s32 $0xFFFFE790;
	(pc) =	sbr.rel @p0 .LBB2_1-.Ltmp1, $4  }
0x2a: {  	[hbm4b:s7+s3] =	stream.linear.scatter [tilespmem:s10], [sflag:$0x3], $0x1870, $0x38;
	[tilespmem:$0x7FF0] =	vst v63  }
0x2b: {  	_ =	swait.ge [sflag:s11], $0x1870  }
0x2c: {  	[sflag:s11] =	ssyncset.done $0x0  }
0x2d: {  	[sflag:s11] =	ssyncadd.s32 $0xFFFFE790  }
0x2e: {  	_ =	sfence.sel $0x180000  }
0x2f: {  	[bflag:$0x0] =	sbarrier.arrive $0xFFFF  }
0x30: {  	p0 =	sne.s32 s1, $0x0;
	_ =	strace $0x90000047  }
0x31: {  	s0 =	sadd.s32 @!p0 $0x100000, s0;
	[bflag:$0x2] =	sbarrier.arrive $0xFFFF  }
0x32: {  	[sflag:s0] =	ssyncadd.tile.s32 @!p0 $0x1;
	_ =	shalt  }
.Lfunc_end2:
_tile_overlayer_lowered:
.L_overlay_start_2:
0x33: {  	(tag) =	ssettag $0x2  }
0x34: {  	s0 =	rddreg [dreg:$0x0];
	s2 =	stileid.u32  }
0x35: {  	s1 =	rddreg [dreg:$0x1];
	p0 =	sne.s32 s2, $0x0  }
0x36: {  	s3 =	rddreg [dreg:$0x2];
	[bflag:$0x3] =	sbarrier.arrive $0xFFFF;
	s2 =	simm.s32 @!p0 $0x1C03  }
0x37: {  	[timem:s3], [sflag:s2] =	dma.local @!p0 [hbm:s0], s1  }
0x38: {  	s0 =	simm.s32 @!p0 $0x3  }
0x39: {  	_ =	swait.ge @!p0 [sflag:s0], s1  }
0x3a: {  	s1 =	ssub.s32 @!p0 $0x0, s1;
	[sflag:s0] =	ssyncset.done @!p0 $0x0  }
0x3b: {  	[sflag:s0] =	ssyncadd.s32 @!p0 s1  }
0x3c: {  	[bflag:$0x3] =	sbarrier.arrive $0xFFFF  }
0x3d: {  	_ =	shalt  }

</sc_bundles>
